<compile_context>
chip_gen: v7x
topology: tpu7x:2x2x1
jax: 0.10.2.dev20260603
libtpu: 0.0.44.dev20260713+nightly
codegen_flags: <defaults>
</compile_context>

<pallas_src>
import functools

import jax
import jax.numpy as jnp
from jax import lax
from jax.experimental import pallas as pl
from jax.experimental.pallas import tpu as pltpu
from jax.experimental.pallas import tpu_sc as plsc

D_MODEL = 64
NUM_CORES = 2
NUM_SUBCORES = 16
NW = NUM_CORES * NUM_SUBCORES
LANES = 16


def _sc_embed_body(seq, bw, lut_hbm, xt_hbm, out_hbm,
                   lut_v, raw0, raw1, blk0, blk1,
                   lsem, isem0, isem1, osem0, osem1):
    wid = lax.axis_index("s") * NUM_CORES + lax.axis_index("c")
    b0 = wid * bw

    raw = (raw0, raw1)
    blk = (blk0, blk1)
    isem = (isem0, isem1)
    osem = (osem0, osem1)

    pltpu.async_copy(lut_hbm, lut_v, lsem).wait()

    def idx_copy(s, p):
        return pltpu.make_async_copy(
            xt_hbm.at[s, pl.ds(b0, bw)], raw[p], isem[p])

    def out_copy(s, p):
        return pltpu.make_async_copy(
            blk[p], out_hbm.at[s, :, pl.ds(b0, bw)], osem[p])

    idx_copy(0, 0).start()
    idx_copy(1, 1).start()

    def expand(p):
        @plsc.parallel_loop(0, bw // LANES, unroll=2)
        def kbody(k):
            t_vec = raw[p][pl.ds(LANES * k, LANES)]
            base = t_vec * D_MODEL
            @plsc.parallel_loop(0, D_MODEL, unroll=8)
            def dbody(d):
                blk[p][d, pl.ds(LANES * k, LANES)] = plsc.load_gather(
                    lut_v, [base + d])

    def body(j, carry):
        for p in (0, 1):
            s = 2 * j + p
            idx_copy(s, p).wait()
            @pl.when(j >= 1)
            def _():
                out_copy(s - 2, p).wait()
            expand(p)
            @pl.when(j < seq // 2 - 1)
            def _():
                idx_copy(s + 2, p).start()
            out_copy(s, p).start()
        return carry

    lax.fori_loop(0, seq // 2, body, 0)
    out_copy(seq - 2, 0).wait()
    out_copy(seq - 1, 1).wait()


def kernel(x, lut):
    batch, seq = x.shape
    assert batch % NW == 0 and seq % 2 == 0
    bw = batch // NW
    xt = jnp.transpose(x).astype(jnp.int32)
    lut_flat = lut.reshape(-1)

    mesh = plsc.VectorSubcoreMesh(core_axis_name="c", subcore_axis_name="s")
    run = pl.kernel(
        functools.partial(_sc_embed_body, seq, bw),
        mesh=mesh,
        compiler_params=pltpu.CompilerParams(needs_layout_passes=False),
        out_type=jax.ShapeDtypeStruct((seq, D_MODEL, batch), jnp.float32),
        scratch_types=[
            pltpu.VMEM((lut_flat.shape[0],), jnp.float32),
            pltpu.VMEM((bw,), jnp.int32),
            pltpu.VMEM((bw,), jnp.int32),
            pltpu.VMEM((D_MODEL, bw), jnp.float32),
            pltpu.VMEM((D_MODEL, bw), jnp.float32),
            pltpu.SemaphoreType.DMA,
            pltpu.SemaphoreType.DMA,
            pltpu.SemaphoreType.DMA,
            pltpu.SemaphoreType.DMA,
            pltpu.SemaphoreType.DMA,
        ],
    )
    out = run(lut_flat, xt)
    return jnp.transpose(out, (2, 0, 1))

# --- scband reference (transcript-rebuilt; emitter-appended) ---
"""Pipeline reference for scband-note-positional-embedding-21612275433830 (READ-ONLY COPY).

The authoritative reference and input builder live on the scoring server;
editing this copy changes nothing except your own understanding.
"""

import jax, jax.numpy as jnp
import numpy as np

D_MODEL = 64
MAX_LEN = 16
BATCH = 16384
SEQ = 200

def setup_inputs(seed: int = 0) -> dict:
    key = jax.random.key(seed)
    k1, k2 = jax.random.split(key)
    # x holds per-token beat-position indices in [0, max_len). The original
    # module derives these from a token vocabulary via get_pos(); here the
    # position indices are supplied directly (the undefined Constants()/
    # string-parsing step is data preprocessing, not tensor compute).
    x = jax.random.randint(k1, (BATCH, SEQ), 0, MAX_LEN, dtype=jnp.int64)
    # nn.Embedding(max_len, d_model) weight, N(0,1) init like torch default
    lut = jax.random.normal(k2, (MAX_LEN, D_MODEL), dtype=jnp.float32)
    return {"x": x, "lut": lut}

def reference(x, lut):
    # forward: poses -> self.lut(poses)  == embedding gather
    return jnp.take(lut, x, axis=0)

if __name__ == "__main__":
    import jax
    _d = setup_inputs()
    print(jax.jit(kernel)(*tuple(_d.values())))

</pallas_src>

<mosaic_0001>
#map = affine_map<(d0, d1) -> (0)>
#map1 = affine_map<(d0, d1) -> (0, 0)>
#map2 = affine_map<(d0, d1) -> (0, 0, 0)>
module attributes {stable_mosaic.version = 14 : i64} {
  func.func @_sc_embed_body(%arg0: i32, %arg1: i32, %arg2: memref<1024xf32, #tpu.memory_space<hbm>>, %arg3: memref<200x16384xi32, #tpu.memory_space<hbm>>, %arg4: memref<200x64x16384xf32, #tpu.memory_space<hbm>>, %arg5: memref<1024xf32, #tpu.memory_space<vmem>>, %arg6: memref<512xi32, #tpu.memory_space<vmem>>, %arg7: memref<512xi32, #tpu.memory_space<vmem>>, %arg8: memref<64x512xf32, #tpu.memory_space<vmem>>, %arg9: memref<64x512xf32, #tpu.memory_space<vmem>>, %arg10: memref<!tpu.dma_semaphore, #tpu.memory_space<semaphore_mem>>, %arg11: memref<!tpu.dma_semaphore, #tpu.memory_space<semaphore_mem>>, %arg12: memref<!tpu.dma_semaphore, #tpu.memory_space<semaphore_mem>>, %arg13: memref<!tpu.dma_semaphore, #tpu.memory_space<semaphore_mem>>, %arg14: memref<!tpu.dma_semaphore, #tpu.memory_space<semaphore_mem>>) attributes {dimension_semantics = [#tpu.dimension_semantics<core_parallel>, #tpu.dimension_semantics<subcore_parallel>], iteration_bounds = array<i64: 2, 16>, scalar_prefetch = 0 : i64, scratch_operands = 10 : i64, tpu.core_type = #tpu.core_type<sc_vector_subcore>, window_params = [{transform_indices = #map}, {transform_indices = #map1}, {transform_indices = #map2}]} {
    %mul3A = arith.constant 2 : i32
    %mul3A_0 = arith.muli %arg1, %mul3A : i32
    %add3A = arith.addi %mul3A_0, %arg0 : i32
    %mul3A_1 = arith.constant 512 : i32
    %mul3A_2 = arith.muli %add3A, %mul3A_1 : i32
    tpu.enqueue_dma source(%arg2 : memref<1024xf32, #tpu.memory_space<hbm>>) target(%arg5 : memref<1024xf32, #tpu.memory_space<vmem>>) target_semaphore(%arg10 : memref<!tpu.dma_semaphore, #tpu.memory_space<semaphore_mem>>)
    tpu.wait_dma2 semaphore(%arg10 : memref<!tpu.dma_semaphore, #tpu.memory_space<semaphore_mem>>) src(%arg2 : memref<1024xf32, #tpu.memory_space<hbm>>) dst(%arg5 : memref<1024xf32, #tpu.memory_space<vmem>>)
    %dma_start3A = arith.constant 0 : i32
    %dma_start3A_3 = tpu.memref_slice %arg3[%dma_start3A, %mul3A_2] : memref<200x16384xi32, #tpu.memory_space<hbm>> -> memref<1x512xi32, #tpu.memory_space<hbm>>
    %dma_start3A_4 = tpu.memref_squeeze %dma_start3A_3 : memref<1x512xi32, #tpu.memory_space<hbm>> -> memref<512xi32, #tpu.memory_space<hbm>>
    %dma_start3A_5 = tpu.memref_slice %arg3[%dma_start3A, %mul3A_2] : memref<200x16384xi32, #tpu.memory_space<hbm>> -> memref<1x512xi32, #tpu.memory_space<hbm>>
    %dma_start3A_6 = tpu.memref_squeeze %dma_start3A_5 : memref<1x512xi32, #tpu.memory_space<hbm>> -> memref<512xi32, #tpu.memory_space<hbm>>
    tpu.enqueue_dma source(%dma_start3A_6 : memref<512xi32, #tpu.memory_space<hbm>>) target(%arg6 : memref<512xi32, #tpu.memory_space<vmem>>) target_semaphore(%arg11 : memref<!tpu.dma_semaphore, #tpu.memory_space<semaphore_mem>>)
    %dma_start3A_7 = arith.constant 1 : i32
    %dma_start3A_8 = tpu.memref_slice %arg3[%dma_start3A_7, %mul3A_2] : memref<200x16384xi32, #tpu.memory_space<hbm>> -> memref<1x512xi32, #tpu.memory_space<hbm>>
    %dma_start3A_9 = tpu.memref_squeeze %dma_start3A_8 : memref<1x512xi32, #tpu.memory_space<hbm>> -> memref<512xi32, #tpu.memory_space<hbm>>
    %dma_start3A_10 = tpu.memref_slice %arg3[%dma_start3A_7, %mul3A_2] : memref<200x16384xi32, #tpu.memory_space<hbm>> -> memref<1x512xi32, #tpu.memory_space<hbm>>
    %dma_start3A_11 = tpu.memref_squeeze %dma_start3A_10 : memref<1x512xi32, #tpu.memory_space<hbm>> -> memref<512xi32, #tpu.memory_space<hbm>>
    tpu.enqueue_dma source(%dma_start3A_11 : memref<512xi32, #tpu.memory_space<hbm>>) target(%arg7 : memref<512xi32, #tpu.memory_space<vmem>>) target_semaphore(%arg12 : memref<!tpu.dma_semaphore, #tpu.memory_space<semaphore_mem>>)
    %scan3A = arith.constant 0 : i32
    %scan3A_12 = arith.constant 0 : i32
    %scan3A_13 = arith.constant 100 : i32
    %scan3A_14 = arith.addi %scan3A_12, %scan3A_13 : i32
    %scan3A_15 = arith.constant 1 : i32
    scf.for %scan3A_30 = %scan3A_12 to %scan3A_14 step %scan3A_15  : i32 {
      %mul3A_31 = arith.constant 2 : i32
      %mul3A_32 = arith.muli %mul3A_31, %scan3A_30 : i32
      %add3A_33 = arith.constant 0 : i32
      %add3A_34 = arith.addi %mul3A_32, %add3A_33 : i32
      %dma_wait3A_35 = tpu.memref_slice %arg3[%add3A_34, %mul3A_2] : memref<200x16384xi32, #tpu.memory_space<hbm>> -> memref<1x512xi32, #tpu.memory_space<hbm>>
      %dma_wait3A_36 = tpu.memref_squeeze %dma_wait3A_35 : memref<1x512xi32, #tpu.memory_space<hbm>> -> memref<512xi32, #tpu.memory_space<hbm>>
      %dma_wait3A_37 = tpu.memref_slice %arg3[%add3A_34, %mul3A_2] : memref<200x16384xi32, #tpu.memory_space<hbm>> -> memref<1x512xi32, #tpu.memory_space<hbm>>
      %dma_wait3A_38 = tpu.memref_squeeze %dma_wait3A_37 : memref<1x512xi32, #tpu.memory_space<hbm>> -> memref<512xi32, #tpu.memory_space<hbm>>
      tpu.wait_dma2 semaphore(%arg11 : memref<!tpu.dma_semaphore, #tpu.memory_space<semaphore_mem>>) src(%dma_wait3A_38 : memref<512xi32, #tpu.memory_space<hbm>>) dst(%arg6 : memref<512xi32, #tpu.memory_space<vmem>>)
      %ge3A = arith.constant 1 : i32
      %ge3A_39 = arith.cmpi sge, %scan3A_30, %ge3A : i32
      %convert_element_type3A = arith.extui %ge3A_39 : i1 to i32
      %cond3A = arith.constant 0 : i32
      %cond3A_40 = arith.cmpi ne, %convert_element_type3A, %cond3A : i32
      scf.if %cond3A_40 {
        %sub3A = arith.constant 2 : i32
        %sub3A_80 = arith.subi %add3A_34, %sub3A : i32
        %dma_wait3A_81 = arith.constant 0 : i32
        %dma_wait3A_82 = tpu.memref_slice %arg4[%sub3A_80, %dma_wait3A_81, %mul3A_2] : memref<200x64x16384xf32, #tpu.memory_space<hbm>> -> memref<1x64x512xf32, #tpu.memory_space<hbm>>
        %dma_wait3A_83 = tpu.memref_squeeze %dma_wait3A_82 : memref<1x64x512xf32, #tpu.memory_space<hbm>> -> memref<64x512xf32, #tpu.memory_space<hbm>>
        %dma_wait3A_84 = arith.constant 0 : i32
        %dma_wait3A_85 = tpu.memref_slice %arg4[%sub3A_80, %dma_wait3A_84, %mul3A_2] : memref<200x64x16384xf32, #tpu.memory_space<hbm>> -> memref<1x64x512xf32, #tpu.memory_space<hbm>>
        %dma_wait3A_86 = tpu.memref_squeeze %dma_wait3A_85 : memref<1x64x512xf32, #tpu.memory_space<hbm>> -> memref<64x512xf32, #tpu.memory_space<hbm>>
        tpu.wait_dma2 semaphore(%arg13 : memref<!tpu.dma_semaphore, #tpu.memory_space<semaphore_mem>>) src(%arg8 : memref<64x512xf32, #tpu.memory_space<vmem>>) dst(%dma_wait3A_86 : memref<64x512xf32, #tpu.memory_space<hbm>>)
      } else {
      }
      %parallel_loop3A = arith.constant 0 : i32
      %parallel_loop3A_41 = arith.constant 32 : i32
      %parallel_loop3A_42 = arith.constant 1 : i32
      scf.for %parallel_loop3A_80 = %parallel_loop3A to %parallel_loop3A_41 step %parallel_loop3A_42  : i32 {
        %parallel_loop3A_81 = arith.constant 16 : i32
        %parallel_loop3A_82 = arith.muli %parallel_loop3A_81, %parallel_loop3A_80 : i32
        %parallel_loop3A_83 = arith.index_cast %parallel_loop3A_82 : i32 to index
        %parallel_loop3A_84 = tpu.vector_load %arg6[%parallel_loop3A_83] {strides = array<i32>} : memref<512xi32, #tpu.memory_space<vmem>>, vector<16xi32>,
        %parallel_loop3A_85 = arith.constant 64 : i32
        %parallel_loop3A_86 = vector.broadcast %parallel_loop3A_85 : i32 to vector<16xi32>
        %parallel_loop3A_87 = arith.muli %parallel_loop3A_84, %parallel_loop3A_86 : vector<16xi32>
        %parallel_loop3A_88 = arith.constant 0 : i32
        %parallel_loop3A_89 = arith.constant 64 : i32
        %parallel_loop3A_90 = arith.constant 1 : i32
        scf.for %parallel_loop3A_91 = %parallel_loop3A_88 to %parallel_loop3A_89 step %parallel_loop3A_90  : i32 {
          %parallel_loop3A_92 = vector.broadcast %parallel_loop3A_91 : i32 to vector<16xi32>
          %parallel_loop3A_93 = arith.addi %parallel_loop3A_87, %parallel_loop3A_92 : vector<16xi32>
          %parallel_loop3A_94 = tpu.vector_load_idx %arg5[%parallel_loop3A_93] : memref<1024xf32, #tpu.memory_space<vmem>>[vector<16xi32>], vector<16xf32>,
          %parallel_loop3A_95 = arith.constant 16 : i32
          %parallel_loop3A_96 = arith.muli %parallel_loop3A_95, %parallel_loop3A_80 : i32
          %parallel_loop3A_97 = arith.index_cast %parallel_loop3A_91 : i32 to index
          %parallel_loop3A_98 = arith.index_cast %parallel_loop3A_96 : i32 to index
          %parallel_loop3A_99 = tpu.vector_load %arg8[%parallel_loop3A_97, %parallel_loop3A_98] {strides = array<i32>} : memref<64x512xf32, #tpu.memory_space<vmem>>, vector<16xf32>,
          tpu.vector_store %arg8[%parallel_loop3A_97, %parallel_loop3A_98], %parallel_loop3A_94 {strides = array<i32>} : memref<64x512xf32, #tpu.memory_space<vmem>>, vector<16xf32>,
        } {sc.loop_unroll_factor = 8 : i64, sc.parallel_access}
      } {sc.loop_unroll_factor = 2 : i64, sc.parallel_access}
      %lt3A = arith.constant 99 : i32
      %lt3A_43 = arith.cmpi slt, %scan3A_30, %lt3A : i32
      %convert_element_type3A_44 = arith.extui %lt3A_43 : i1 to i32
      %cond3A_45 = arith.constant 0 : i32
      %cond3A_46 = arith.cmpi ne, %convert_element_type3A_44, %cond3A_45 : i32
      scf.if %cond3A_46 {
        %add3A_80 = arith.constant 2 : i32
        %add3A_81 = arith.addi %add3A_34, %add3A_80 : i32
        %dma_start3A_82 = tpu.memref_slice %arg3[%add3A_81, %mul3A_2] : memref<200x16384xi32, #tpu.memory_space<hbm>> -> memref<1x512xi32, #tpu.memory_space<hbm>>
        %dma_start3A_83 = tpu.memref_squeeze %dma_start3A_82 : memref<1x512xi32, #tpu.memory_space<hbm>> -> memref<512xi32, #tpu.memory_space<hbm>>
        %dma_start3A_84 = tpu.memref_slice %arg3[%add3A_81, %mul3A_2] : memref<200x16384xi32, #tpu.memory_space<hbm>> -> memref<1x512xi32, #tpu.memory_space<hbm>>
        %dma_start3A_85 = tpu.memref_squeeze %dma_start3A_84 : memref<1x512xi32, #tpu.memory_space<hbm>> -> memref<512xi32, #tpu.memory_space<hbm>>
        tpu.enqueue_dma source(%dma_start3A_85 : memref<512xi32, #tpu.memory_space<hbm>>) target(%arg6 : memref<512xi32, #tpu.memory_space<vmem>>) target_semaphore(%arg11 : memref<!tpu.dma_semaphore, #tpu.memory_space<semaphore_mem>>)
      } else {
      }
      %dma_start3A_47 = arith.constant 0 : i32
      %dma_start3A_48 = tpu.memref_slice %arg4[%add3A_34, %dma_start3A_47, %mul3A_2] : memref<200x64x16384xf32, #tpu.memory_space<hbm>> -> memref<1x64x512xf32, #tpu.memory_space<hbm>>
      %dma_start3A_49 = tpu.memref_squeeze %dma_start3A_48 : memref<1x64x512xf32, #tpu.memory_space<hbm>> -> memref<64x512xf32, #tpu.memory_space<hbm>>
      %dma_start3A_50 = arith.constant 0 : i32
      %dma_start3A_51 = tpu.memref_slice %arg4[%add3A_34, %dma_start3A_50, %mul3A_2] : memref<200x64x16384xf32, #tpu.memory_space<hbm>> -> memref<1x64x512xf32, #tpu.memory_space<hbm>>
      %dma_start3A_52 = tpu.memref_squeeze %dma_start3A_51 : memref<1x64x512xf32, #tpu.memory_space<hbm>> -> memref<64x512xf32, #tpu.memory_space<hbm>>
      tpu.enqueue_dma source(%arg8 : memref<64x512xf32, #tpu.memory_space<vmem>>) target(%dma_start3A_52 : memref<64x512xf32, #tpu.memory_space<hbm>>) target_semaphore(%arg13 : memref<!tpu.dma_semaphore, #tpu.memory_space<semaphore_mem>>)
      %mul3A_53 = arith.constant 2 : i32
      %mul3A_54 = arith.muli %mul3A_53, %scan3A_30 : i32
      %add3A_55 = arith.constant 1 : i32
      %add3A_56 = arith.addi %mul3A_54, %add3A_55 : i32
      %dma_wait3A_57 = tpu.memref_slice %arg3[%add3A_56, %mul3A_2] : memref<200x16384xi32, #tpu.memory_space<hbm>> -> memref<1x512xi32, #tpu.memory_space<hbm>>
      %dma_wait3A_58 = tpu.memref_squeeze %dma_wait3A_57 : memref<1x512xi32, #tpu.memory_space<hbm>> -> memref<512xi32, #tpu.memory_space<hbm>>
      %dma_wait3A_59 = tpu.memref_slice %arg3[%add3A_56, %mul3A_2] : memref<200x16384xi32, #tpu.memory_space<hbm>> -> memref<1x512xi32, #tpu.memory_space<hbm>>
      %dma_wait3A_60 = tpu.memref_squeeze %dma_wait3A_59 : memref<1x512xi32, #tpu.memory_space<hbm>> -> memref<512xi32, #tpu.memory_space<hbm>>
      tpu.wait_dma2 semaphore(%arg12 : memref<!tpu.dma_semaphore, #tpu.memory_space<semaphore_mem>>) src(%dma_wait3A_60 : memref<512xi32, #tpu.memory_space<hbm>>) dst(%arg7 : memref<512xi32, #tpu.memory_space<vmem>>)
      %ge3A_61 = arith.constant 1 : i32
      %ge3A_62 = arith.cmpi sge, %scan3A_30, %ge3A_61 : i32
      %convert_element_type3A_63 = arith.extui %ge3A_62 : i1 to i32
      %cond3A_64 = arith.constant 0 : i32
      %cond3A_65 = arith.cmpi ne, %convert_element_type3A_63, %cond3A_64 : i32
      scf.if %cond3A_65 {
        %sub3A = arith.constant 2 : i32
        %sub3A_80 = arith.subi %add3A_56, %sub3A : i32
        %dma_wait3A_81 = arith.constant 0 : i32
        %dma_wait3A_82 = tpu.memref_slice %arg4[%sub3A_80, %dma_wait3A_81, %mul3A_2] : memref<200x64x16384xf32, #tpu.memory_space<hbm>> -> memref<1x64x512xf32, #tpu.memory_space<hbm>>
        %dma_wait3A_83 = tpu.memref_squeeze %dma_wait3A_82 : memref<1x64x512xf32, #tpu.memory_space<hbm>> -> memref<64x512xf32, #tpu.memory_space<hbm>>
        %dma_wait3A_84 = arith.constant 0 : i32
        %dma_wait3A_85 = tpu.memref_slice %arg4[%sub3A_80, %dma_wait3A_84, %mul3A_2] : memref<200x64x16384xf32, #tpu.memory_space<hbm>> -> memref<1x64x512xf32, #tpu.memory_space<hbm>>
        %dma_wait3A_86 = tpu.memref_squeeze %dma_wait3A_85 : memref<1x64x512xf32, #tpu.memory_space<hbm>> -> memref<64x512xf32, #tpu.memory_space<hbm>>
        tpu.wait_dma2 semaphore(%arg14 : memref<!tpu.dma_semaphore, #tpu.memory_space<semaphore_mem>>) src(%arg9 : memref<64x512xf32, #tpu.memory_space<vmem>>) dst(%dma_wait3A_86 : memref<64x512xf32, #tpu.memory_space<hbm>>)
      } else {
      }
      %parallel_loop3A_66 = arith.constant 0 : i32
      %parallel_loop3A_67 = arith.constant 32 : i32
      %parallel_loop3A_68 = arith.constant 1 : i32
      scf.for %parallel_loop3A_80 = %parallel_loop3A_66 to %parallel_loop3A_67 step %parallel_loop3A_68  : i32 {
        %parallel_loop3A_81 = arith.constant 16 : i32
        %parallel_loop3A_82 = arith.muli %parallel_loop3A_81, %parallel_loop3A_80 : i32
        %parallel_loop3A_83 = arith.index_cast %parallel_loop3A_82 : i32 to index
        %parallel_loop3A_84 = tpu.vector_load %arg7[%parallel_loop3A_83] {strides = array<i32>} : memref<512xi32, #tpu.memory_space<vmem>>, vector<16xi32>,
        %parallel_loop3A_85 = arith.constant 64 : i32
        %parallel_loop3A_86 = vector.broadcast %parallel_loop3A_85 : i32 to vector<16xi32>
        %parallel_loop3A_87 = arith.muli %parallel_loop3A_84, %parallel_loop3A_86 : vector<16xi32>
        %parallel_loop3A_88 = arith.constant 0 : i32
        %parallel_loop3A_89 = arith.constant 64 : i32
        %parallel_loop3A_90 = arith.constant 1 : i32
        scf.for %parallel_loop3A_91 = %parallel_loop3A_88 to %parallel_loop3A_89 step %parallel_loop3A_90  : i32 {
          %parallel_loop3A_92 = vector.broadcast %parallel_loop3A_91 : i32 to vector<16xi32>
          %parallel_loop3A_93 = arith.addi %parallel_loop3A_87, %parallel_loop3A_92 : vector<16xi32>
          %parallel_loop3A_94 = tpu.vector_load_idx %arg5[%parallel_loop3A_93] : memref<1024xf32, #tpu.memory_space<vmem>>[vector<16xi32>], vector<16xf32>,
          %parallel_loop3A_95 = arith.constant 16 : i32
          %parallel_loop3A_96 = arith.muli %parallel_loop3A_95, %parallel_loop3A_80 : i32
          %parallel_loop3A_97 = arith.index_cast %parallel_loop3A_91 : i32 to index
          %parallel_loop3A_98 = arith.index_cast %parallel_loop3A_96 : i32 to index
          %parallel_loop3A_99 = tpu.vector_load %arg9[%parallel_loop3A_97, %parallel_loop3A_98] {strides = array<i32>} : memref<64x512xf32, #tpu.memory_space<vmem>>, vector<16xf32>,
          tpu.vector_store %arg9[%parallel_loop3A_97, %parallel_loop3A_98], %parallel_loop3A_94 {strides = array<i32>} : memref<64x512xf32, #tpu.memory_space<vmem>>, vector<16xf32>,
        } {sc.loop_unroll_factor = 8 : i64, sc.parallel_access}
      } {sc.loop_unroll_factor = 2 : i64, sc.parallel_access}
      %lt3A_69 = arith.constant 99 : i32
      %lt3A_70 = arith.cmpi slt, %scan3A_30, %lt3A_69 : i32
      %convert_element_type3A_71 = arith.extui %lt3A_70 : i1 to i32
      %cond3A_72 = arith.constant 0 : i32
      %cond3A_73 = arith.cmpi ne, %convert_element_type3A_71, %cond3A_72 : i32
      scf.if %cond3A_73 {
        %add3A_80 = arith.constant 2 : i32
        %add3A_81 = arith.addi %add3A_56, %add3A_80 : i32
        %dma_start3A_82 = tpu.memref_slice %arg3[%add3A_81, %mul3A_2] : memref<200x16384xi32, #tpu.memory_space<hbm>> -> memref<1x512xi32, #tpu.memory_space<hbm>>
        %dma_start3A_83 = tpu.memref_squeeze %dma_start3A_82 : memref<1x512xi32, #tpu.memory_space<hbm>> -> memref<512xi32, #tpu.memory_space<hbm>>
        %dma_start3A_84 = tpu.memref_slice %arg3[%add3A_81, %mul3A_2] : memref<200x16384xi32, #tpu.memory_space<hbm>> -> memref<1x512xi32, #tpu.memory_space<hbm>>
        %dma_start3A_85 = tpu.memref_squeeze %dma_start3A_84 : memref<1x512xi32, #tpu.memory_space<hbm>> -> memref<512xi32, #tpu.memory_space<hbm>>
        tpu.enqueue_dma source(%dma_start3A_85 : memref<512xi32, #tpu.memory_space<hbm>>) target(%arg7 : memref<512xi32, #tpu.memory_space<vmem>>) target_semaphore(%arg12 : memref<!tpu.dma_semaphore, #tpu.memory_space<semaphore_mem>>)
      } else {
      }
      %dma_start3A_74 = arith.constant 0 : i32
      %dma_start3A_75 = tpu.memref_slice %arg4[%add3A_56, %dma_start3A_74, %mul3A_2] : memref<200x64x16384xf32, #tpu.memory_space<hbm>> -> memref<1x64x512xf32, #tpu.memory_space<hbm>>
      %dma_start3A_76 = tpu.memref_squeeze %dma_start3A_75 : memref<1x64x512xf32, #tpu.memory_space<hbm>> -> memref<64x512xf32, #tpu.memory_space<hbm>>
      %dma_start3A_77 = arith.constant 0 : i32
      %dma_start3A_78 = tpu.memref_slice %arg4[%add3A_56, %dma_start3A_77, %mul3A_2] : memref<200x64x16384xf32, #tpu.memory_space<hbm>> -> memref<1x64x512xf32, #tpu.memory_space<hbm>>
      %dma_start3A_79 = tpu.memref_squeeze %dma_start3A_78 : memref<1x64x512xf32, #tpu.memory_space<hbm>> -> memref<64x512xf32, #tpu.memory_space<hbm>>
      tpu.enqueue_dma source(%arg9 : memref<64x512xf32, #tpu.memory_space<vmem>>) target(%dma_start3A_79 : memref<64x512xf32, #tpu.memory_space<hbm>>) target_semaphore(%arg14 : memref<!tpu.dma_semaphore, #tpu.memory_space<semaphore_mem>>)
    }
    %scan3A_16 = arith.constant 100 : i32
    %dma_wait3A = arith.constant 198 : i32
    %dma_wait3A_17 = arith.constant 0 : i32
    %dma_wait3A_18 = tpu.memref_slice %arg4[%dma_wait3A, %dma_wait3A_17, %mul3A_2] : memref<200x64x16384xf32, #tpu.memory_space<hbm>> -> memref<1x64x512xf32, #tpu.memory_space<hbm>>
    %dma_wait3A_19 = tpu.memref_squeeze %dma_wait3A_18 : memref<1x64x512xf32, #tpu.memory_space<hbm>> -> memref<64x512xf32, #tpu.memory_space<hbm>>
    %dma_wait3A_20 = arith.constant 0 : i32
    %dma_wait3A_21 = tpu.memref_slice %arg4[%dma_wait3A, %dma_wait3A_20, %mul3A_2] : memref<200x64x16384xf32, #tpu.memory_space<hbm>> -> memref<1x64x512xf32, #tpu.memory_space<hbm>>
    %dma_wait3A_22 = tpu.memref_squeeze %dma_wait3A_21 : memref<1x64x512xf32, #tpu.memory_space<hbm>> -> memref<64x512xf32, #tpu.memory_space<hbm>>
    tpu.wait_dma2 semaphore(%arg13 : memref<!tpu.dma_semaphore, #tpu.memory_space<semaphore_mem>>) src(%arg8 : memref<64x512xf32, #tpu.memory_space<vmem>>) dst(%dma_wait3A_22 : memref<64x512xf32, #tpu.memory_space<hbm>>)
    %dma_wait3A_23 = arith.constant 199 : i32
    %dma_wait3A_24 = arith.constant 0 : i32
    %dma_wait3A_25 = tpu.memref_slice %arg4[%dma_wait3A_23, %dma_wait3A_24, %mul3A_2] : memref<200x64x16384xf32, #tpu.memory_space<hbm>> -> memref<1x64x512xf32, #tpu.memory_space<hbm>>
    %dma_wait3A_26 = tpu.memref_squeeze %dma_wait3A_25 : memref<1x64x512xf32, #tpu.memory_space<hbm>> -> memref<64x512xf32, #tpu.memory_space<hbm>>
    %dma_wait3A_27 = arith.constant 0 : i32
    %dma_wait3A_28 = tpu.memref_slice %arg4[%dma_wait3A_23, %dma_wait3A_27, %mul3A_2] : memref<200x64x16384xf32, #tpu.memory_space<hbm>> -> memref<1x64x512xf32, #tpu.memory_space<hbm>>
    %dma_wait3A_29 = tpu.memref_squeeze %dma_wait3A_28 : memref<1x64x512xf32, #tpu.memory_space<hbm>> -> memref<64x512xf32, #tpu.memory_space<hbm>>
    tpu.wait_dma2 semaphore(%arg14 : memref<!tpu.dma_semaphore, #tpu.memory_space<semaphore_mem>>) src(%arg9 : memref<64x512xf32, #tpu.memory_space<vmem>>) dst(%dma_wait3A_29 : memref<64x512xf32, #tpu.memory_space<hbm>>)
    return
  }
}

</mosaic_0001>

<sc_bundles>
// kernel: kernel.3.cloned.1.call-start
scs
__scs_entry_jumppad:
0x0: {  	(pc) =	sbr.rel $0x88, $3  }
0x1: {  	(tag) =	ssettag $0x0;
	lr =	simm.s32 $0x1  }
0x2: {  	[smem:$0x3F9F] =	sst lr;
	_ =	strace $0xD0000000  }
0x3: {  	_ = 	snop  }
0x4: {  	_ = 	snop  }
0x5: {  	_ = 	snop  }
0x6: {  	_ = 	snop  }
0x7: {  	_ = 	snop  }
__scs_overlays_trampoline_lowered:
0x8: {  	[smem:$0x3FAE] =	sst s0  }
0x9: {  	[smem:$0x3FAF] =	sst s1  }
0xa: {  	[smem:$0x3FB0] =	sst s2  }
0xb: {  	[smem:$0x3FB1] =	sst s3  }
0xc: {  	[smem:$0x3FB2] =	sst s4  }
0xd: {  	[smem:$0x3FB3] =	sst s5  }
0xe: {  	[smem:$0x3FB4] =	sst s6  }
0xf: {  	[smem:$0x3FB5] =	sst s7  }
0x10: {  	[smem:$0x3FB6] =	sst s8  }
0x11: {  	[smem:$0x3FB7] =	sst s9;
	s0 =	simm.s32 @!p0 $0x0  }
0x12: {  	s1 =	sld [smem:$0x3F9D];
	s0 =	simm.s32 @p0 $0x1  }
0x13: {  	[smem:$0x3FB8] =	sst s0;
	s0 =	simm.s32 @!p1 $0x0  }
0x14: {  	s2 =	sld [smem:$0x3F9C];
	s0 =	simm.s32 @p1 $0x1  }
0x15: {  	[smem:$0x3FB9] =	sst s0;
	s0 =	simm.s32 @!p2 $0x0  }
0x16: {  	s3 =	sld [smem:$0x3FDB];
	s0 =	simm.s32 @p2 $0x1  }
0x17: {  	s4 =	simm.s32 $0x1BF5;
	[smem:$0x3FBB] =	sst s0  }
0x18: {  	s0 =	sld [smem:$0x3F9E];
	_ =	swait.ge [sflag:s4], $0x0  }
0x19: {  	s7 =	sld [smem:$0x3F9F]  }
0x1a: {  	s8 =	sadd.s32 $0xFFFFE003, lr  }
0x1b: {  	s9 =	sadd.s32 $0xFFFFFEF7, lr;
	s5 =	simm.s32 $0xFFFFFFFF;
	p2 =	slt.u32 s8, $0xFFFFF086  }
0x1c: {  	p1 =	slt.u32 s9, $0xF7A;
	s5 =	simm.s32 @!p2 $0x0  }
0x1d: {  	s5 =	simm.s32 @p1 $0x1;
	p0 =	seq.s32 s7, s2  }
0x1e: {  	s7 =	smul.u32 @!p0 $0xF7A, s2;
	p2 =	seq.s32 @!p0 s5, $0x0  }
0x1f: {  	s9 =	smul.u32 $0xF7A, s1;
	s8 =	simm.s32 @!p0 $0x1BF5;
	p2 =	por !p2, p0  }
0x20: {  	[sflag:s8] =	ssyncset.s32 @!p0 $0xFFFFF086;
	s6 =	sadd.s32 @!p0 s3, s7;
	s7 =	simm.s32 @!p0 $0x108  }
0x21: {  	s3 =	sadd.s32 s3, s9;
	s6 =	sadd.s32 @!p0 $0x88, s6;
	s7 =	simm.s32 @p2 $0x1082  }
0x22: {  	[simem:s7], [sflag:s8] =	dma.local @!p0 [hbm:s6], $0xF7A  }
0x23: {  	s9 =	sor.u32 $0xD0000000, s2;
	s6 =	simm.s32 $0x108;
	_ =	swait.ge @!p0 [sflag:s8], $0x0  }
0x24: {  	s3 =	sadd.s32 $0x88, s3;
	s6 =	simm.s32 @!p1 $0x1082;
	[sflag:s4] =	ssyncset.s32 $0xFFFFF086  }
0x25: {  	[simem:s6], [sflag:s4] =	dma.local [hbm:s3], $0xF7A  }
0x26: {  	[smem:$0x3F9F] =	sst s1;
	(tag) =	ssettag s2;
	_ =	strace s9  }
0x27: {  	s1 =	sld [smem:$0x3FAF]  }
0x28: {  	s2 =	sld [smem:$0x3FB0]  }
0x29: {  	s4 =	sld [smem:$0x3FB2]  }
0x2a: {  	p0 =	seq.s32 s5, $0x0;
	s5 =	sld [smem:$0x3FB3]  }
0x2b: {  	s6 =	sld [smem:$0x3FB4]  }
0x2c: {  	s7 =	sld [smem:$0x3FB5]  }
0x2d: {  	s3 =	simm.s32 $0x108;
	s8 =	sld [smem:$0x3FB6]  }
0x2e: {  	s3 =	simm.s32 @!p0 $0x1082;
	s9 =	sld [smem:$0x3FB7]  }
0x2f: {  	lr =	sadd.s32 s0, s3;
	s0 =	sld [smem:$0x3FAE]  }
0x30: {  	s3 =	sld [smem:$0x3FB1]  }
0x31: {  	[smem:$0x3FBA] =	sst s10  }
0x32: {  	s10 =	sld [smem:$0x3FB8];
	_ =	sdelay $0x3  }
0x33: {  	p0 =	seq.s32 s10, $0x1;
	s10 =	sld [smem:$0x3FBA];
	_ =	sdelay $0x3  }
0x34: {  	[smem:$0x3FBA] =	sst s10  }
0x35: {  	s10 =	sld [smem:$0x3FB9];
	_ =	sdelay $0x3  }
0x36: {  	p1 =	seq.s32 s10, $0x1;
	s10 =	sld [smem:$0x3FBA];
	_ =	sdelay $0x3  }
0x37: {  	[smem:$0x3FBA] =	sst s10  }
0x38: {  	s10 =	sld [smem:$0x3FBB]  }
0x39: {  	_ = 	snop;
	(pc) =	sbr.ind lr, $3  }
0x3a: {  	_ = 	snop  }
0x3b: {  	_ = 	snop  }
0x3c: {  	p2 =	seq.s32 s10, $0x1;
	s10 =	sld [smem:$0x3FBA]  }
0x3d: {  	_ =	shalt  }
0x3e: {  	_ =	shalt  }
0x3f: {  	_ =	shalt  }
0x40: {  	_ =	shalt  }
0x41: {  	_ =	shalt  }
0x42: {  	_ =	shalt  }
0x43: {  	_ =	shalt  }
0x44: {  	_ =	shalt  }
0x45: {  	_ =	shalt  }
0x46: {  	_ =	shalt  }
0x47: {  	_ =	shalt  }
0x48: {  	_ =	shalt  }
0x49: {  	_ =	shalt  }
0x4a: {  	_ =	shalt  }
0x4b: {  	_ =	shalt  }
0x4c: {  	_ =	shalt  }
0x4d: {  	_ =	shalt  }
0x4e: {  	_ =	shalt  }
0x4f: {  	_ =	shalt  }
0x50: {  	_ =	shalt  }
0x51: {  	_ =	shalt  }
0x52: {  	_ =	shalt  }
0x53: {  	_ =	shalt  }
0x54: {  	_ =	shalt  }
0x55: {  	_ =	shalt  }
0x56: {  	_ =	shalt  }
0x57: {  	_ =	shalt  }
0x58: {  	_ =	shalt  }
0x59: {  	_ =	shalt  }
0x5a: {  	_ =	shalt  }
0x5b: {  	_ =	shalt  }
0x5c: {  	_ =	shalt  }
0x5d: {  	_ =	shalt  }
0x5e: {  	_ =	shalt  }
0x5f: {  	_ =	shalt  }
0x60: {  	_ =	shalt  }
0x61: {  	_ =	shalt  }
0x62: {  	_ =	shalt  }
0x63: {  	_ =	shalt  }
0x64: {  	_ =	shalt  }
0x65: {  	_ =	shalt  }
0x66: {  	_ =	shalt  }
0x67: {  	_ =	shalt  }
0x68: {  	_ =	shalt  }
0x69: {  	_ =	shalt  }
0x6a: {  	_ =	shalt  }
0x6b: {  	_ =	shalt  }
0x6c: {  	_ =	shalt  }
0x6d: {  	_ =	shalt  }
0x6e: {  	_ =	shalt  }
0x6f: {  	_ =	shalt  }
0x70: {  	_ =	shalt  }
0x71: {  	_ =	shalt  }
0x72: {  	_ =	shalt  }
0x73: {  	_ =	shalt  }
0x74: {  	_ =	shalt  }
0x75: {  	_ =	shalt  }
0x76: {  	_ =	shalt  }
0x77: {  	_ =	shalt  }
0x78: {  	_ =	shalt  }
0x79: {  	_ =	shalt  }
0x7a: {  	_ =	shalt  }
0x7b: {  	_ =	shalt  }
0x7c: {  	_ =	shalt  }
0x7d: {  	_ =	shalt  }
0x7e: {  	_ =	shalt  }
0x7f: {  	_ =	shalt  }
0x80: {  	_ =	shalt  }
0x81: {  	_ =	shalt  }
0x82: {  	_ =	shalt  }
0x83: {  	_ =	shalt  }
0x84: {  	_ =	shalt  }
0x85: {  	_ =	shalt  }
0x86: {  	_ =	shalt  }
0x87: {  	_ =	shalt  }
.Lfunc_end0:
.L_simem_size_0:
called_computation_lowered:
.L_overlay_start_0:
0x88: {  	s2 =	sld [smem:$0x3FD9]  }
0x89: {  	s3 =	sld [smem:$0x3FFE];
	_ =	sdelay $0x1  }
0x8a: {  	s1 =	srdreg.scid  }
0x8b: {  	s0 =	sand.u32 $0x1, s1  }
0x8c: {  	s17 =	sshll.u32 s0, $0xA;
	s2 =	sadd.s32 s3, s2  }
0x8d: {  	s2 =	sadd.s32 s2, s17  }
0x8e: {  	[smem:$0x3FC6] =	sst s2  }
0x8f: {  	_ = 	snop  }
0x90: {  	s2 =	sld [smem:$0x3FC9]  }
0x91: {  	s18 =	sld [smem:$0x3FD0];
	(tm) =	ssettm $0x1  }
0x92: {  	s4 =	sld [smem:$0x3FFB];
	_ =	sdelay $0x3  }
0x93: {  	_ =	strace s4  }
0x94: {  	s4 =	sld [smem:$0x3FFC];
	_ =	sdelay $0x3  }
0x95: {  	_ =	strace s4  }
0x96: {  	s4 =	sld [smem:$0x3FFD];
	_ =	sdelay $0x3  }
0x97: {  	_ =	strace s4  }
0x98: {  	_ =	strace $0x8FFFFFFF  }
0x99: {  	s19 =	sld [smem:$0x3FDB];
	_ =	sdelay $0x1  }
0x9a: {  	s5 =	simm.s32 $_scs_section_size  }
0x9b: {  	s6 =	simm.s32 $_size__tile_overlayer_lowered;
	s7 =	simm.s32 $_tile_overlayer_lowered  }
0x9c: {  	s22 =	simm.s32 $0x1BFF;
	s21 =	sshll.u32 s7, $0x1;
	s4 =	sadd.s32 s5, s19  }
0x9d: {  	s8 =	simm.s32 $0x0;
	s20 =	sshll.u32 s6, $0x1;
	s6 =	sadd.s32 s21, s4  }
0x9e: {  	[timem:s8], [sflag:s22] =	dma.local [hbm:s6], s20  }
0x9f: {  	_ =	swait.ge [sflag:s22], s20  }
0xa0: {  	s5 =	ssub.s32 $0x0, s20;
	[sflag:s22] =	ssyncset.done $0x0  }
0xa1: {  	[sflag:s22] =	ssyncadd.s32 s5;
	_ =	sdelay $0x1  }
0xa2: {  	s23 =	simm.s32 $0x1B8B  }
0xa3: {  	_ =	swait.ge [sflag:s23], $0x1  }
0xa4: {  	[sflag:s23] =	ssyncset.done $0x0  }
0xa5: {  	s25 =	simm.s32 $0x1B8E;
	s24 =	sld [smem:$0x3FFE];
	[sflag:s23] =	ssyncadd.s32 $0xFFFFFFFF  }
0xa6: {  	s26 =	simm.s32 $execute0_lowered;
	[smem:$0x3FD2] =	sst s25  }
0xa7: {  	s6 =	sshll.u32 s26, $0x1;
	_ =	strace $0x80000046;
	[dreg:$0x1] =	wrdreg $0xFFFFFFFF  }
0xa8: {  	s28 =	simm.s32 $_size_execute0_lowered;
	s4 =	sadd.s32 s4, s6;
	[dreg:$0x0] =	wrdreg $0x0  }
0xa9: {  	s6 =	sshll.u32 s28, $0x1;
	[dreg:$0x2] =	wrdreg s4  }
0xaa: {  	[dreg:$0x3] =	wrdreg s6  }
0xab: {  	[dreg:$0x4] =	wrdreg $0xC0  }
0xac: {  	_ =	task [dreg:s8], $0x5FFFF  }
0xad: {  	[dreg:$0x1] =	wrdreg $0xFFFFFFFF  }
0xae: {  	[dreg:$0x0] =	wrdreg $0x60  }
0xaf: {  	[dreg:$0x2] =	wrdreg s24  }
0xb0: {  	[dreg:$0x3] =	wrdreg s2  }
0xb1: {  	[dreg:$0x4] =	wrdreg s18  }
0xb2: {  	[dreg:$0x5] =	wrdreg $0x9  }
0xb3: {  	_ =	task.clear_ibuf [dreg:s8], $0x6FFFF;
	_ =	strace $0x90000046  }
0xb4: {  	s29 =	simm.s32 $0x9;
	_ =	strace $0x80000048  }
0xb5: {  	_ =	swait.ge [sflag:s29], $0x1  }
0xb6: {  	[sflag:s29] =	ssyncadd.s32 $0xFFFFFFFF  }
0xb7: {  	_ =	strace $0x90000048  }
0xb8: {  	_ =	sfence  }
0xb9: {  	s30 =	sld [smem:$0x0];
	_ =	sdelay $0x2  }
0xba: {  	s31 =	sshll.u32 s1, $0xD;
	s1 =	sshrl.u32 s1, $0x2  }
0xbb: {  	s3 =	sand.u32 $0x4000, s31;
	s1 =	sadd.s32 s1, s30  }
0xbc: {  	s0 =	sor.u32 s3, s0;
	s1 =	sshll.u32 s1, $0x11  }
0xbd: {  	s0 =	sor.u32 s1, s0  }
0xbe: {  	s0 =	sadd.s32 $0x8F2B, s0  }
0xbf: {  	[sflag:s0] =	ssyncadd.remote.s32 $0x1  }
0xc0: {  	_ =	sfence.sel $0xFFFF  }
0xc1: {  	[dreg:$0x0] =	wrdreg $0xFFFFFFFF;
	(pc) =	sbr.abs _section_cstart, $3  }
0xc2: {  	[dreg:$0x1] =	wrdreg $0xFFFFFFFF  }
0xc3: {  	_ =	task.clear_ibuf [dreg:s8], $0x2FFFF;
	_ =	strace $0x9FFFFFFF  }
0xc4: {  	(tm) =	ssettm $0x7FFFFFFF  }
0xc5: {  	_ =	shalt  }
tec
execute0_lowered:
.L_overlay_start_1:
0x0: {  	(tag) =	ssettag $0x1  }
0x1: {  	s0 =	rddreg [dreg:$0x0];
	s1 =	srdreg.scid  }
0x2: {  	s2 =	rddreg [dreg:$0x1];
	s4 =	stileid.u32  }
0x3: {  	s3 =	rddreg [dreg:$0x2];
	s11 =	simm.s32 $0x1;
	s15 =	simm.s32 $0x2  }
0x4: {  	s16 =	simm.s32 $0x1000;
	s17 =	simm.s32 $0x20000;
	s18 =	simm.s32 $0x800  }
0x5: {  	s19 =	simm.s32 $0x3;
	s20 =	simm.s32 $0x8800;
	s21 =	simm.s32 $0x4  }
0x6: {  	s1 =	sand.u32 $0x1, s1;
	s5 =	sshll.u32 s4, $0xD;
	s4 =	simm.s32 $0x0  }
0x7: {  	s0 =	sadd.s32 $0x400, s0;
	s6 =	sshll.u32 s1, $0xC;
	s1 =	ssub.s32 $0x2, s1  }
0x8: {  	[smem:$0x7FF] =	sst s4;
	s5 =	sor.u32 s6, s5;
	s7 =	sshrl.u32 s1, $0x1  }
0x9: {  	_ =	strace $0x80000047;
	s6 =	sshrl.u32 s5, $0x3;
	s30 =	ssub.s32 s1, s7  }
0xa: {  	[dreg:$0x4] =	wrdreg s0;
	s6 =	sadd.s32 s2, s6;
	s0 =	smax.u32 s30, $0x1  }
0xb: {  	s22 =	simm.s32 $0x5;
	s31 =	sadd.s32 $0x10, s6;
	[dreg:$0x6] =	wrdreg s0  }
0xc: {  	s23 =	simm.s32 $0x0;
	s9 =	sadd.s32 $0x20000, s3;
	[dreg:$0x5] =	wrdreg s31  }
.LBB2_1:
0xd: {  	s0 =	rddreg [dreg:$0x4]  }
0xe: {  	[tilespmem:s4], [sflag:$0x1] =	stream.linear.gather [hbm4b:s0+s4], $0x400, $0x38;
	[tilespmem:$0x10800] =	vst v63  }
0xf: {  	_ =	swait.ge [sflag:s11], $0x400  }
0x10: {  	[sflag:s11] =	ssyncset.done $0x0  }
0x11: {  	s1 =	simm.s32 $0x80;
	s7 =	simm.s32 $0x400;
	[sflag:s11] =	ssyncadd.s32 $0xFFFFFC00  }
0x12: {  	[tilespmem:s7], [sflag:$0x2] =	stream.strided.gather [hbm4b:s6+s1], $0x200, s7, s1, $0x38;
	[tilespmem:$0x10800] =	vst v63  }
0x13: {  	s8 =	simm.s32 $0x600;
	s24 =	simm.s32 $0x0;
	s31 =	rddreg [dreg:$0x5]  }
0x14: {  	[tilespmem:s8], [sflag:$0x3] =	stream.strided.gather [hbm4b:s31+s1], $0x200, s7, s1, $0x38;
	[tilespmem:$0x10800] =	vst v63  }
.LBB2_2:
0x15: {  	_ =	swait.ge [sflag:s15], $0x200  }
0x16: {  	p1 =	seq.s32 s24, $0x0;
	[sflag:s15] =	ssyncset.done $0x0  }
0x17: {  	s0 =	simm.s32 @!p1 $0x4;
	[sflag:s15] =	ssyncadd.s32 $0xFFFFFE00  }
0x18: {  	s25 =	sshll.u32 s24, $0x1;
	_ =	swait.ge @!p1 [sflag:s0], $0x8000  }
0x19: {  	s26 =	simm.s32 $0x0;
	s28 =	simm.s32 $0x0;
	[sflag:s0] =	ssyncset.done @!p1 $0x0  }
0x1a: {  	s29 =	simm.s32 $0x0;
	s30 =	simm.s32 $0x0;
	[sflag:s0] =	ssyncadd.s32 @!p1 $0xFFFF8000  }
.LBB2_3:
0x1b: {  	s1 =	sshll.u32 s30, $0x4  }
0x1c: {  	v0 =	vld [tilespmem:s1+$0x400];
	_ =	sdelay $0x4  }
0x1d: {  	s0 =	simm.s32 $0x7;
	v0 =	vshll.u32 v0, $0x6  }
0x1e: {  	s7 =	simm.s32 $0x1;
	v1 =	vor.u32 s0, v0  }
0x1f: {  	s8 =	simm.s32 $0x3;
	v2 =	vor.u32 s7, v0  }
0x20: {  	s7 =	simm.s32 $0x2;
	v4 =	vor.u32 s8, v0  }
0x21: {  	s10 =	simm.s32 $0x4;
	s14 =	sshll.u32 s29, $0x2;
	s8 =	sand.u32 $0x3, s28;
	v3 =	vor.u32 s7, v0  }
0x22: {  	s12 =	simm.s32 $0x5;
	v5 =	vor.u32 s10, v0;
	s7 =	sand.u32 $0xFFFFF000, s14;
	s10 =	sshll.u32 s8, $0x7  }
0x23: {  	v6 =	vor.u32 s12, v0;
	s0 =	sor.u32 s10, s7;
	s10 =	simm.s32 $0xA;
	v1 =	vld.idx.msk [tilespmem:v1+s4+$0x0], $0xffff  }
0x24: {  	s13 =	simm.s32 $0x6;
	v14 =	vor.u32 s10, v0;
	v7 =	vld.idx.msk [tilespmem:v2+s4+$0x0], $0xffff  }
0x25: {  	v2 =	vor.u32 s13, v0;
	v12 =	vld.idx.msk [tilespmem:v4+s4+$0x0], $0xffff  }
0x26: {  	s12 =	simm.s32 $0xF;
	v8 =	vor.u32 s26, v0;
	v9 =	vld.idx.msk [tilespmem:v3+s4+$0x0], $0xffff  }
0x27: {  	s14 =	sshrl.u32 s0, $0x2;
	s13 =	simm.s32 $0x9;
	v13 =	vld.idx.msk [tilespmem:v5+s4+$0x0], $0xffff;
	v3 =	vor.u32 s12, v0  }
0x28: {  	s0 =	sadd.s32 $0xA00, s14;
	v5 =	vld.idx.msk [tilespmem:v6+s4+$0x0], $0xffff;
	v4 =	vor.u32 s13, v0;
	s12 =	simm.s32 $0xB  }
0x29: {  	s13 =	simm.s32 $0xC;
	v10 =	vor.u32 s12, v0;
	v6 =	vld.idx.msk [tilespmem:v14+s4+$0x0], $0xffff;
	[tilespmem:s0+$0x180] =	vst v1  }
0x2a: {  	s31 =	sadd.s32 $0xA10, s14;
	s14 =	simm.s32 $0xD;
	v11 =	vor.u32 s13, v0;
	v2 =	vld.idx.msk [tilespmem:v2+s4+$0x0], $0xffff;
	[tilespmem:s0+$0xFFFFFE80] =	vst v7  }
0x2b: {  	s13 =	simm.s32 $0xE;
	v1 =	vld.idx.msk [tilespmem:v8+s4+$0x0], $0xffff;
	[tilespmem:s0+$0xFFFFFF00] =	vst v9;
	v9 =	vor.u32 s14, v0  }
0x2c: {  	s7 =	simm.s32 $0x17;
	s10 =	simm.s32 $0x8;
	[tilespmem:s0+$0xFFFFFF80] =	vst v12;
	v8 =	vor.u32 s13, v0;
	v3 =	vld.idx.msk [tilespmem:v3+s4+$0x0], $0xffff  }
0x2d: {  	s12 =	sand.u32 $0x60, s1;
	s13 =	simm.s32 $0x18;
	v7 =	vor.u32 s10, v0;
	[tilespmem:s0+$0x0] =	vst v13;
	v4 =	vld.idx.msk [tilespmem:v4+s4+$0x0], $0xffff;
	s14 =	simm.s32 $0x10  }
.LBB2_4:
0x2e: {  	p0 =	slt.u32 s13, $0x38;
	s8 =	sadd.s32 $0x1, s14;
	v12 =	vor.u32 s7, v0;
	v13 =	vld.idx.msk [tilespmem:v10+s4+$0x0], $0xffff;
	[tilespmem:s0+$0x80] =	vst v5  }
0x2f: {  	s7 =	sadd.s32 $0x2, s14;
	v14 =	vor.u32 s8, v0;
	v15 =	vld.idx.msk [tilespmem:v11+s4+$0x0], $0xffff;
	[tilespmem:s0+$0x100] =	vst v2  }
0x30: {  	v16 =	vor.u32 s7, v0;
	s7 =	sadd.s32 $0x3, s14;
	v5 =	vld.idx.msk [tilespmem:v9+s4+$0x0], $0xffff;
	[tilespmem:s0+$0xFFFFFE00] =	vst v1;
	s0 =	sadd.s32 $0x1000, s0  }
.Ltmp0:
0x31: {  	v10 =	vor.u32 s7, v0;
	s7 =	sadd.s32 $0x4, s14;
	v2 =	vld.idx.msk [tilespmem:v8+s4+$0x0], $0xffff;
	[tilespmem:s0+$0x180] =	vst v3;
	(pc) =	sbr.rel @p0 .LBB2_4-.Ltmp0, $4  }
0x32: {  	v11 =	vor.u32 s7, v0;
	s7 =	sadd.s32 $0x5, s14;
	v1 =	vld.idx.msk [tilespmem:v7+s4+$0x0], $0xffff;
	[tilespmem:s0+$0xFFFFFE80] =	vst v4  }
0x33: {  	v9 =	vor.u32 s7, v0;
	s7 =	sadd.s32 $0x6, s14;
	v3 =	vld.idx.msk [tilespmem:v12+s4+$0x0], $0xffff;
	[tilespmem:s0+$0xFFFFFF00] =	vst v6  }
0x34: {  	v8 =	vor.u32 s7, v0;
	v4 =	vld.idx.msk [tilespmem:v14+s4+$0x0], $0xffff;
	[tilespmem:s0+$0xFFFFFF80] =	vst v13  }
0x35: {  	v7 =	vor.u32 s14, v0;
	s14 =	smov.u32 s13;
	s7 =	sadd.s32 $0x7, s13;
	s13 =	sadd.s32 $0x8, s13;
	v6 =	vld.idx.msk [tilespmem:v16+s4+$0x0], $0xffff;
	[tilespmem:s0+$0x0] =	vst v15  }
0x36: {  	_ =	sdelay $0x3  }
0x37: {  	v10 =	vld.idx.msk [tilespmem:v10+s4+$0x0], $0xffff;
	s1 =	sand.u32 $0x180, s1  }
0x38: {  	s8 =	sadd.s32 $0x1, s14;
	v12 =	vor.u32 s7, v0;
	[tilespmem:s0+$0x80] =	vst v5;
	v5 =	vld.idx.msk [tilespmem:v11+s4+$0x0], $0xffff;
	s1 =	sor.u32 s1, s12  }
0x39: {  	s10 =	sadd.s32 $0x2, s14;
	[tilespmem:s0+$0x100] =	vst v2;
	v2 =	vld.idx.msk [tilespmem:v9+s4+$0x0], $0xffff;
	v11 =	vor.u32 s8, v0;
	s1 =	sor.u32 $0x410, s1  }
0x3a: {  	v9 =	vor.u32 s10, v0;
	s12 =	sadd.s32 $0x3, s14;
	[tilespmem:s0+$0xFFFFFE00] =	vst v1;
	s0 =	sadd.s32 $0x1000, s0;
	v1 =	vld [tilespmem:s1+$0x0]  }
0x3b: {  	s13 =	sadd.s32 $0x4, s14;
	v8 =	vld.idx.msk [tilespmem:v8+s4+$0x0], $0xffff;
	[tilespmem:s0+$0x180] =	vst v3;
	v3 =	vor.u32 s12, v0  }
0x3c: {  	s7 =	sadd.s32 $0x5, s14;
	v7 =	vld.idx.msk [tilespmem:v7+s4+$0x0], $0xffff;
	[tilespmem:s0+$0xFFFFFE80] =	vst v4;
	v4 =	vor.u32 s13, v0  }
0x3d: {  	s8 =	sadd.s32 $0x6, s14;
	[tilespmem:s0+$0xFFFFFF00] =	vst v6;
	v6 =	vor.u32 s7, v0;
	v12 =	vld.idx.msk [tilespmem:v12+s4+$0x0], $0xffff  }
0x3e: {  	[tilespmem:s0+$0xFFFFFF80] =	vst v10;
	v10 =	vor.u32 s8, v0;
	v11 =	vld.idx.msk [tilespmem:v11+s4+$0x0], $0xffff  }
0x3f: {  	v13 =	vor.u32 s14, v0;
	s10 =	simm.s32 $0x7;
	[tilespmem:s0+$0x0] =	vst v5;
	v9 =	vld.idx.msk [tilespmem:v9+s4+$0x0], $0xffff;
	v0 =	vshll.u32 v1, $0x6  }
0x40: {  	s12 =	simm.s32 $0x1;
	[tilespmem:s0+$0x80] =	vst v2;
	v1 =	vld.idx.msk [tilespmem:v3+s4+$0x0], $0xffff;
	v2 =	vor.u32 s10, v0  }
0x41: {  	s13 =	simm.s32 $0x2;
	[tilespmem:s0+$0x100] =	vst v8;
	v3 =	vld.idx.msk [tilespmem:v4+s4+$0x0], $0xffff;
	v4 =	vor.u32 s12, v0  }
0x42: {  	s14 =	simm.s32 $0x3;
	[tilespmem:s0+$0xFFFFFE00] =	vst v7;
	s0 =	sadd.s32 $0x1000, s0;
	v5 =	vld.idx.msk [tilespmem:v6+s4+$0x0], $0xffff;
	v6 =	vor.u32 s13, v0  }
0x43: {  	s7 =	simm.s32 $0x4;
	v8 =	vor.u32 s14, v0;
	v7 =	vld.idx.msk [tilespmem:v10+s4+$0x0], $0xffff;
	[tilespmem:s0+$0xFFFFFE80] =	vst v11  }
0x44: {  	s8 =	simm.s32 $0x5;
	v10 =	vld.idx.msk [tilespmem:v13+s4+$0x0], $0xffff;
	v11 =	vor.u32 s7, v0;
	[tilespmem:s0+$0xFFFFFF00] =	vst v9  }
0x45: {  	s12 =	simm.s32 $0x0;
	v9 =	vor.u32 s8, v0;
	[tilespmem:s0+$0xFFFFFF80] =	vst v1;
	v2 =	vld.idx.msk [tilespmem:v2+s4+$0x0], $0xffff  }
0x46: {  	s10 =	simm.s32 $0x6;
	[tilespmem:s0+$0x0] =	vst v3;
	v3 =	vor.u32 s12, v0;
	v1 =	vld.idx.msk [tilespmem:v4+s4+$0x0], $0xffff  }
0x47: {  	s13 =	simm.s32 $0xF;
	[tilespmem:s0+$0x180] =	vst v12;
	v4 =	vor.u32 s10, v0;
	v6 =	vld.idx.msk [tilespmem:v6+s4+$0x0], $0xffff  }
0x48: {  	v62 =	vor.u32 s13, v0;
	s7 =	simm.s32 $0xA;
	[tilespmem:s0+$0x80] =	vst v5;
	v63 =	vld.idx.msk [tilespmem:v8+s4+$0x0], $0xffff  }
0x49: {  	s14 =	simm.s32 $0x9;
	v15 =	vor.u32 s7, v0;
	[tilespmem:s0+$0x100] =	vst v7;
	v14 =	vld.idx.msk [tilespmem:v11+s4+$0x0], $0xffff  }
0x4a: {  	s8 =	simm.s32 $0xB;
	v7 =	vor.u32 s14, v0;
	[tilespmem:s0+$0xFFFFFE00] =	vst v10;
	v5 =	vld.idx.msk [tilespmem:v9+s4+$0x0], $0xffff  }
0x4b: {  	s10 =	simm.s32 $0xC;
	v10 =	vor.u32 s8, v0;
	v3 =	vld.idx.msk [tilespmem:v3+s4+$0x0], $0xffff;
	[tilespmem:s31+$0x180] =	vst v2  }
0x4c: {  	s12 =	simm.s32 $0xD;
	v11 =	vor.u32 s10, v0;
	v4 =	vld.idx.msk [tilespmem:v4+s4+$0x0], $0xffff;
	[tilespmem:s31+$0xFFFFFE80] =	vst v1  }
0x4d: {  	v8 =	vor.u32 s12, v0;
	s14 =	simm.s32 $0xE;
	v1 =	vld.idx.msk [tilespmem:v62+s4+$0x0], $0xffff;
	[tilespmem:s31+$0xFFFFFF00] =	vst v6  }
0x4e: {  	s13 =	simm.s32 $0x8;
	v9 =	vor.u32 s14, v0;
	[tilespmem:s31+$0xFFFFFF80] =	vst v63;
	v6 =	vld.idx.msk [tilespmem:v15+s4+$0x0], $0xffff  }
0x4f: {  	s1 =	simm.s32 $0x18;
	s7 =	simm.s32 $0x17;
	s0 =	simm.s32 $0x10;
	v2 =	vld.idx.msk [tilespmem:v7+s4+$0x0], $0xffff;
	v7 =	vor.u32 s13, v0;
	[tilespmem:s31+$0x0] =	vst v14  }
.LBB2_6:
0x50: {  	p0 =	slt.u32 s1, $0x38;
	s8 =	sadd.s32 $0x1, s0;
	v12 =	vor.u32 s7, v0;
	v13 =	vld.idx.msk [tilespmem:v10+s4+$0x0], $0xffff;
	[tilespmem:s31+$0x80] =	vst v5  }
0x51: {  	s7 =	sadd.s32 $0x2, s0;
	v14 =	vor.u32 s8, v0;
	v15 =	vld.idx.msk [tilespmem:v11+s4+$0x0], $0xffff;
	[tilespmem:s31+$0x100] =	vst v4  }
0x52: {  	v16 =	vor.u32 s7, v0;
	s7 =	sadd.s32 $0x3, s0;
	v5 =	vld.idx.msk [tilespmem:v8+s4+$0x0], $0xffff;
	[tilespmem:s31+$0xFFFFFE00] =	vst v3;
	s31 =	sadd.s32 $0x1000, s31  }
.Ltmp1:
0x53: {  	v10 =	vor.u32 s7, v0;
	s7 =	sadd.s32 $0x4, s0;
	v4 =	vld.idx.msk [tilespmem:v9+s4+$0x0], $0xffff;
	[tilespmem:s31+$0x180] =	vst v1;
	(pc) =	sbr.rel @p0 .LBB2_6-.Ltmp1, $4  }
0x54: {  	v11 =	vor.u32 s7, v0;
	s7 =	sadd.s32 $0x5, s0;
	v3 =	vld.idx.msk [tilespmem:v7+s4+$0x0], $0xffff;
	[tilespmem:s31+$0xFFFFFE80] =	vst v2  }
0x55: {  	v8 =	vor.u32 s7, v0;
	s7 =	sadd.s32 $0x6, s0;
	v1 =	vld.idx.msk [tilespmem:v12+s4+$0x0], $0xffff;
	[tilespmem:s31+$0xFFFFFF00] =	vst v6  }
0x56: {  	v9 =	vor.u32 s7, v0;
	v2 =	vld.idx.msk [tilespmem:v14+s4+$0x0], $0xffff;
	[tilespmem:s31+$0xFFFFFF80] =	vst v13  }
0x57: {  	v7 =	vor.u32 s0, v0;
	s0 =	smov.u32 s1;
	s7 =	sadd.s32 $0x7, s1;
	s1 =	sadd.s32 $0x8, s1;
	v6 =	vld.idx.msk [tilespmem:v16+s4+$0x0], $0xffff;
	[tilespmem:s31+$0x0] =	vst v15  }
0x58: {  	_ =	sdelay $0x2  }
0x59: {  	[tilespmem:s31+$0x80] =	vst v5  }
0x5a: {  	v55 =	vor.u32 s7, v0;
	v10 =	vld.idx.msk [tilespmem:v10+s4+$0x0], $0xffff;
	[tilespmem:s31+$0x100] =	vst v4  }
0x5b: {  	s1 =	sadd.s32 $0x1, s0;
	v11 =	vld.idx.msk [tilespmem:v11+s4+$0x0], $0xffff;
	v62 =	vor.u32 s0, v0;
	[tilespmem:s31+$0xFFFFFE00] =	vst v3;
	s31 =	sadd.s32 $0x1000, s31  }
0x5c: {  	s14 =	sadd.s32 $0x2, s0;
	v8 =	vld.idx.msk [tilespmem:v8+s4+$0x0], $0xffff;
	v56 =	vor.u32 s1, v0;
	[tilespmem:s31+$0x180] =	vst v1  }
0x5d: {  	s8 =	sadd.s32 $0x3, s0;
	v9 =	vld.idx.msk [tilespmem:v9+s4+$0x0], $0xffff;
	v57 =	vor.u32 s14, v0;
	[tilespmem:s31+$0xFFFFFE80] =	vst v2  }
0x5e: {  	s10 =	sadd.s32 $0x4, s0;
	v7 =	vld.idx.msk [tilespmem:v7+s4+$0x0], $0xffff;
	v58 =	vor.u32 s8, v0;
	[tilespmem:s31+$0xFFFFFF00] =	vst v6  }
0x5f: {  	s12 =	sadd.s32 $0x5, s0;
	s13 =	sadd.s32 $0x6, s0;
	v59 =	vor.u32 s10, v0;
	v5 =	vld.idx.msk [tilespmem:v55+s4+$0x0], $0xffff;
	[tilespmem:s31+$0xFFFFFF80] =	vst v10  }
0x60: {  	v60 =	vor.u32 s12, v0;
	v61 =	vor.u32 s13, v0;
	[tilespmem:s31+$0x0] =	vst v11;
	v0 =	vld.idx.msk [tilespmem:v62+s4+$0x0], $0xffff  }
0x61: {  	[tilespmem:s31+$0x80] =	vst v8;
	v4 =	vld.idx.msk [tilespmem:v56+s4+$0x0], $0xffff  }
0x62: {  	[tilespmem:s31+$0x100] =	vst v9;
	v3 =	vld.idx.msk [tilespmem:v57+s4+$0x0], $0xffff  }
0x63: {  	s14 =	sadd.s32 $0x1000, s31;
	[tilespmem:s31+$0xFFFFFE00] =	vst v7;
	v1 =	vld.idx.msk [tilespmem:v58+s4+$0x0], $0xffff  }
0x64: {  	v2 =	vld.idx.msk [tilespmem:v59+s4+$0x0], $0xffff;
	[tilespmem:s14+$0x180] =	vst v5  }
0x65: {  	v6 =	vld.idx.msk [tilespmem:v60+s4+$0x0], $0xffff;
	[tilespmem:s14+$0xFFFFFE00] =	vst v0  }
0x66: {  	p0 =	slt.u32 s30, $0x1E;
	v63 =	vld.idx.msk [tilespmem:v61+s4+$0x0], $0xffff;
	[tilespmem:s14+$0xFFFFFE80] =	vst v4  }
.Ltmp2:
0x67: {  	[tilespmem:s14+$0xFFFFFF00] =	vst v3;
	(pc) =	sbr.rel @p0 .LBB2_3-.Ltmp2, $4  }
0x68: {  	[tilespmem:s14+$0xFFFFFF80] =	vst v1  }
0x69: {  	[tilespmem:s14+$0x0] =	vst v2  }
0x6a: {  	s31 =	sadd.s32 $0x2, s30;
	[tilespmem:s14+$0x80] =	vst v6  }
0x6b: {  	s29 =	sadd.s32 $0x100, s29;
	s28 =	sadd.s32 $0x1, s28;
	s30 =	smov.u32 s31;
	[tilespmem:s14+$0x100] =	vst v63  }
0x6c: {  	p0 =	seq.s32 s24, $0x63  }
0x6d: {  	s0 =	sadd.s32 @!p0 $0x2, s25  }
0x6e: {  	s1 =	sshll.u32 @!p0 s0, $0x7;
	s0 =	sshll.u32 @!p0 s0, $0xE  }
0x6f: {  	s1 =	sand.u32 @!p0 $0x300, s1;
	s0 =	sand.u32 @!p0 $0x7E0000, s0  }
0x70: {  	s0 =	sor.u32 @!p0 s0, s1  }
0x71: {  	s0 =	sor.u32 @!p0 s5, s0  }
0x72: {  	s26 =	sshll.u32 s24, $0x15;
	s0 =	sshrl.u32 @!p0 s0, $0x3  }
0x73: {  	s7 =	simm.s32 @!p0 $0x400;
	s1 =	simm.s32 @!p0 $0x80;
	s0 =	sadd.s32 @!p0 s2, s0  }
0x74: {  	[tilespmem:s7], [sflag:$0x2] =	stream.strided.gather @!p0 [hbm4b:s0+s1], $0x200, s7, s1, $0x38;
	[tilespmem:$0x10800] =	vst v63  }
0x75: {  	s0 =	sor.u32 s5, s26  }
0x76: {  	s26 =	sshrl.u32 s0, $0x3  }
0x77: {  	s0 =	sadd.s32 s3, s26  }
0x78: {  	[hbm4b:s0+s16] =	stream.strided.scatter [tilespmem:s18], [sflag:$0x4], $0x8000, s17, s16, $0x38;
	[tilespmem:$0x10800] =	vst v63  }
0x79: {  	_ =	swait.ge [sflag:s19], $0x200  }
0x7a: {  	[sflag:s19] =	ssyncset.done $0x0  }
0x7b: {  	s0 =	simm.s32 @!p1 $0x5;
	[sflag:s19] =	ssyncadd.s32 $0xFFFFFE00  }
0x7c: {  	_ =	swait.ge @!p1 [sflag:s0], $0x8000  }
0x7d: {  	s28 =	simm.s32 $0x0;
	s29 =	simm.s32 $0x0;
	[sflag:s0] =	ssyncset.done @!p1 $0x0  }
0x7e: {  	s30 =	simm.s32 $0x0;
	s31 =	simm.s32 $0x0;
	[sflag:s0] =	ssyncadd.s32 @!p1 $0xFFFF8000  }
.LBB2_9:
0x7f: {  	s0 =	sshll.u32 s31, $0x4  }
0x80: {  	v0 =	vld [tilespmem:s0+$0x600];
	_ =	sdelay $0x4  }
0x81: {  	s1 =	simm.s32 $0x7;
	v0 =	vshll.u32 v0, $0x6  }
0x82: {  	s7 =	simm.s32 $0x1;
	v1 =	vor.u32 s1, v0  }
0x83: {  	s10 =	simm.s32 $0x2;
	v2 =	vor.u32 s7, v0  }
0x84: {  	s12 =	simm.s32 $0x3;
	v3 =	vor.u32 s10, v0  }
0x85: {  	s13 =	simm.s32 $0x4;
	s8 =	sand.u32 $0x3, s29;
	v4 =	vor.u32 s12, v0;
	s10 =	sshll.u32 s30, $0x2  }
0x86: {  	s14 =	simm.s32 $0x5;
	v5 =	vor.u32 s13, v0;
	s13 =	sshll.u32 s8, $0x7;
	s12 =	sand.u32 $0xFFFFF000, s10  }
0x87: {  	v6 =	vor.u32 s14, v0;
	s1 =	sor.u32 s13, s12;
	s12 =	simm.s32 $0xA;
	v1 =	vld.idx.msk [tilespmem:v1+s4+$0x0], $0xffff  }
0x88: {  	s7 =	simm.s32 $0x6;
	v14 =	vor.u32 s12, v0;
	v7 =	vld.idx.msk [tilespmem:v2+s4+$0x0], $0xffff  }
0x89: {  	v2 =	vor.u32 s7, v0;
	v9 =	vld.idx.msk [tilespmem:v3+s4+$0x0], $0xffff  }
0x8a: {  	s14 =	simm.s32 $0xF;
	v8 =	vor.u32 s28, v0;
	v12 =	vld.idx.msk [tilespmem:v4+s4+$0x0], $0xffff  }
0x8b: {  	s10 =	simm.s32 $0x9;
	s1 =	sshrl.u32 s1, $0x2;
	v3 =	vor.u32 s14, v0;
	v13 =	vld.idx.msk [tilespmem:v5+s4+$0x0], $0xffff  }
0x8c: {  	s13 =	simm.s32 $0xB;
	v4 =	vor.u32 s10, v0;
	s14 =	sadd.s32 $0x8A00, s1;
	v5 =	vld.idx.msk [tilespmem:v6+s4+$0x0], $0xffff  }
0x8d: {  	s8 =	simm.s32 $0xC;
	v10 =	vor.u32 s13, v0;
	v6 =	vld.idx.msk [tilespmem:v14+s4+$0x0], $0xffff;
	[tilespmem:s14+$0x180] =	vst v1  }
0x8e: {  	v11 =	vor.u32 s8, v0;
	s12 =	simm.s32 $0xD;
	v2 =	vld.idx.msk [tilespmem:v2+s4+$0x0], $0xffff;
	[tilespmem:s14+$0xFFFFFE80] =	vst v7  }
0x8f: {  	s8 =	simm.s32 $0xE;
	v1 =	vld.idx.msk [tilespmem:v8+s4+$0x0], $0xffff;
	[tilespmem:s14+$0xFFFFFF00] =	vst v9;
	v9 =	vor.u32 s12, v0  }
0x90: {  	s13 =	sand.u32 $0x60, s0;
	s1 =	sadd.s32 $0x8A10, s1;
	s10 =	simm.s32 $0x8;
	v3 =	vld.idx.msk [tilespmem:v3+s4+$0x0], $0xffff;
	[tilespmem:s14+$0xFFFFFF80] =	vst v12;
	v8 =	vor.u32 s8, v0  }
0x91: {  	s7 =	simm.s32 $0x18;
	v4 =	vld.idx.msk [tilespmem:v4+s4+$0x0], $0xffff;
	s12 =	simm.s32 $0x10;
	s8 =	simm.s32 $0x17;
	v7 =	vor.u32 s10, v0;
	[tilespmem:s14+$0x0] =	vst v13  }
.LBB2_10:
0x92: {  	p1 =	slt.u32 s7, $0x38;
	s10 =	sadd.s32 $0x1, s12;
	v12 =	vor.u32 s8, v0;
	v13 =	vld.idx.msk [tilespmem:v10+s4+$0x0], $0xffff;
	[tilespmem:s14+$0x80] =	vst v5  }
0x93: {  	s8 =	sadd.s32 $0x2, s12;
	v14 =	vor.u32 s10, v0;
	v15 =	vld.idx.msk [tilespmem:v11+s4+$0x0], $0xffff;
	[tilespmem:s14+$0x100] =	vst v2  }
0x94: {  	v16 =	vor.u32 s8, v0;
	s8 =	sadd.s32 $0x3, s12;
	v5 =	vld.idx.msk [tilespmem:v9+s4+$0x0], $0xffff;
	[tilespmem:s14+$0xFFFFFE00] =	vst v1;
	s14 =	sadd.s32 $0x1000, s14  }
.Ltmp3:
0x95: {  	v10 =	vor.u32 s8, v0;
	s8 =	sadd.s32 $0x4, s12;
	v2 =	vld.idx.msk [tilespmem:v8+s4+$0x0], $0xffff;
	[tilespmem:s14+$0x180] =	vst v3;
	(pc) =	sbr.rel @p1 .LBB2_10-.Ltmp3, $4  }
0x96: {  	v11 =	vor.u32 s8, v0;
	s8 =	sadd.s32 $0x5, s12;
	v1 =	vld.idx.msk [tilespmem:v7+s4+$0x0], $0xffff;
	[tilespmem:s14+$0xFFFFFE80] =	vst v4  }
0x97: {  	v9 =	vor.u32 s8, v0;
	s8 =	sadd.s32 $0x6, s12;
	v3 =	vld.idx.msk [tilespmem:v12+s4+$0x0], $0xffff;
	[tilespmem:s14+$0xFFFFFF00] =	vst v6  }
0x98: {  	v8 =	vor.u32 s8, v0;
	v4 =	vld.idx.msk [tilespmem:v14+s4+$0x0], $0xffff;
	[tilespmem:s14+$0xFFFFFF80] =	vst v13  }
0x99: {  	v7 =	vor.u32 s12, v0;
	s12 =	smov.u32 s7;
	s8 =	sadd.s32 $0x7, s7;
	s7 =	sadd.s32 $0x8, s7;
	v6 =	vld.idx.msk [tilespmem:v16+s4+$0x0], $0xffff;
	[tilespmem:s14+$0x0] =	vst v15  }
0x9a: {  	_ =	sdelay $0x3  }
0x9b: {  	v10 =	vld.idx.msk [tilespmem:v10+s4+$0x0], $0xffff;
	s0 =	sand.u32 $0x180, s0  }
0x9c: {  	s7 =	sadd.s32 $0x1, s12;
	v12 =	vor.u32 s8, v0;
	[tilespmem:s14+$0x80] =	vst v5;
	v5 =	vld.idx.msk [tilespmem:v11+s4+$0x0], $0xffff;
	s0 =	sor.u32 s0, s13  }
0x9d: {  	s10 =	sadd.s32 $0x2, s12;
	[tilespmem:s14+$0x100] =	vst v2;
	v2 =	vld.idx.msk [tilespmem:v9+s4+$0x0], $0xffff;
	v11 =	vor.u32 s7, v0;
	s0 =	sor.u32 $0x610, s0  }
0x9e: {  	s8 =	sadd.s32 $0x1000, s14;
	v9 =	vor.u32 s10, v0;
	s13 =	sadd.s32 $0x3, s12;
	[tilespmem:s14+$0xFFFFFE00] =	vst v1;
	v1 =	vld [tilespmem:s0+$0x0]  }
0x9f: {  	v8 =	vld.idx.msk [tilespmem:v8+s4+$0x0], $0xffff;
	s10 =	sadd.s32 $0x4, s12;
	[tilespmem:s8+$0x180] =	vst v3;
	v3 =	vor.u32 s13, v0  }
0xa0: {  	v7 =	vld.idx.msk [tilespmem:v7+s4+$0x0], $0xffff;
	s13 =	sadd.s32 $0x5, s12;
	[tilespmem:s8+$0xFFFFFE80] =	vst v4;
	v4 =	vor.u32 s10, v0  }
0xa1: {  	s14 =	sadd.s32 $0x6, s12;
	[tilespmem:s8+$0xFFFFFF00] =	vst v6;
	v6 =	vor.u32 s13, v0;
	v12 =	vld.idx.msk [tilespmem:v12+s4+$0x0], $0xffff  }
0xa2: {  	[tilespmem:s8+$0xFFFFFF80] =	vst v10;
	v10 =	vor.u32 s14, v0;
	v11 =	vld.idx.msk [tilespmem:v11+s4+$0x0], $0xffff  }
0xa3: {  	v13 =	vor.u32 s12, v0;
	s7 =	simm.s32 $0x7;
	[tilespmem:s8+$0x0] =	vst v5;
	v9 =	vld.idx.msk [tilespmem:v9+s4+$0x0], $0xffff;
	v0 =	vshll.u32 v1, $0x6  }
0xa4: {  	s10 =	simm.s32 $0x1;
	[tilespmem:s8+$0x80] =	vst v2;
	v1 =	vld.idx.msk [tilespmem:v3+s4+$0x0], $0xffff;
	v2 =	vor.u32 s7, v0  }
0xa5: {  	s12 =	simm.s32 $0x2;
	[tilespmem:s8+$0x100] =	vst v8;
	v3 =	vld.idx.msk [tilespmem:v4+s4+$0x0], $0xffff;
	v4 =	vor.u32 s10, v0  }
0xa6: {  	s13 =	simm.s32 $0x3;
	[tilespmem:s8+$0xFFFFFE00] =	vst v7;
	v5 =	vld.idx.msk [tilespmem:v6+s4+$0x0], $0xffff;
	s7 =	sadd.s32 $0x1000, s8;
	v6 =	vor.u32 s12, v0  }
0xa7: {  	s14 =	simm.s32 $0x4;
	v8 =	vor.u32 s13, v0;
	v7 =	vld.idx.msk [tilespmem:v10+s4+$0x0], $0xffff;
	[tilespmem:s7+$0xFFFFFE80] =	vst v11  }
0xa8: {  	s8 =	simm.s32 $0x5;
	v10 =	vld.idx.msk [tilespmem:v13+s4+$0x0], $0xffff;
	v11 =	vor.u32 s14, v0;
	[tilespmem:s7+$0xFFFFFF00] =	vst v9  }
0xa9: {  	s12 =	simm.s32 $0x0;
	v9 =	vor.u32 s8, v0;
	[tilespmem:s7+$0xFFFFFF80] =	vst v1;
	v2 =	vld.idx.msk [tilespmem:v2+s4+$0x0], $0xffff  }
0xaa: {  	s10 =	simm.s32 $0x6;
	[tilespmem:s7+$0x0] =	vst v3;
	v3 =	vor.u32 s12, v0;
	v1 =	vld.idx.msk [tilespmem:v4+s4+$0x0], $0xffff  }
0xab: {  	s13 =	simm.s32 $0xF;
	[tilespmem:s7+$0x180] =	vst v12;
	v4 =	vor.u32 s10, v0;
	v6 =	vld.idx.msk [tilespmem:v6+s4+$0x0], $0xffff  }
0xac: {  	v62 =	vor.u32 s13, v0;
	s8 =	simm.s32 $0xA;
	[tilespmem:s7+$0x80] =	vst v5;
	v63 =	vld.idx.msk [tilespmem:v8+s4+$0x0], $0xffff  }
0xad: {  	s14 =	simm.s32 $0x9;
	v15 =	vor.u32 s8, v0;
	[tilespmem:s7+$0x100] =	vst v7;
	v14 =	vld.idx.msk [tilespmem:v11+s4+$0x0], $0xffff  }
0xae: {  	s10 =	simm.s32 $0xB;
	v7 =	vor.u32 s14, v0;
	[tilespmem:s7+$0xFFFFFE00] =	vst v10;
	v5 =	vld.idx.msk [tilespmem:v9+s4+$0x0], $0xffff  }
0xaf: {  	s12 =	simm.s32 $0xC;
	v10 =	vor.u32 s10, v0;
	v3 =	vld.idx.msk [tilespmem:v3+s4+$0x0], $0xffff;
	[tilespmem:s1+$0x180] =	vst v2  }
0xb0: {  	s13 =	simm.s32 $0xD;
	v11 =	vor.u32 s12, v0;
	v4 =	vld.idx.msk [tilespmem:v4+s4+$0x0], $0xffff;
	[tilespmem:s1+$0xFFFFFE80] =	vst v1  }
0xb1: {  	v8 =	vor.u32 s13, v0;
	s14 =	simm.s32 $0xE;
	v1 =	vld.idx.msk [tilespmem:v62+s4+$0x0], $0xffff;
	[tilespmem:s1+$0xFFFFFF00] =	vst v6  }
0xb2: {  	s10 =	simm.s32 $0x8;
	v9 =	vor.u32 s14, v0;
	[tilespmem:s1+$0xFFFFFF80] =	vst v63;
	v6 =	vld.idx.msk [tilespmem:v15+s4+$0x0], $0xffff  }
0xb3: {  	s0 =	simm.s32 $0x10;
	s8 =	simm.s32 $0x17;
	s7 =	simm.s32 $0x18;
	v2 =	vld.idx.msk [tilespmem:v7+s4+$0x0], $0xffff;
	v7 =	vor.u32 s10, v0;
	[tilespmem:s1+$0x0] =	vst v14  }
.LBB2_12:
0xb4: {  	p1 =	slt.u32 s7, $0x38;
	s10 =	sadd.s32 $0x1, s0;
	v12 =	vor.u32 s8, v0;
	v13 =	vld.idx.msk [tilespmem:v10+s4+$0x0], $0xffff;
	[tilespmem:s1+$0x80] =	vst v5  }
0xb5: {  	s8 =	sadd.s32 $0x2, s0;
	v14 =	vor.u32 s10, v0;
	v15 =	vld.idx.msk [tilespmem:v11+s4+$0x0], $0xffff;
	[tilespmem:s1+$0x100] =	vst v4  }
0xb6: {  	v16 =	vor.u32 s8, v0;
	s8 =	sadd.s32 $0x3, s0;
	v5 =	vld.idx.msk [tilespmem:v8+s4+$0x0], $0xffff;
	[tilespmem:s1+$0xFFFFFE00] =	vst v3;
	s1 =	sadd.s32 $0x1000, s1  }
.Ltmp4:
0xb7: {  	v10 =	vor.u32 s8, v0;
	s8 =	sadd.s32 $0x4, s0;
	v4 =	vld.idx.msk [tilespmem:v9+s4+$0x0], $0xffff;
	[tilespmem:s1+$0x180] =	vst v1;
	(pc) =	sbr.rel @p1 .LBB2_12-.Ltmp4, $4  }
0xb8: {  	v11 =	vor.u32 s8, v0;
	s8 =	sadd.s32 $0x5, s0;
	v3 =	vld.idx.msk [tilespmem:v7+s4+$0x0], $0xffff;
	[tilespmem:s1+$0xFFFFFE80] =	vst v2  }
0xb9: {  	v8 =	vor.u32 s8, v0;
	s8 =	sadd.s32 $0x6, s0;
	v1 =	vld.idx.msk [tilespmem:v12+s4+$0x0], $0xffff;
	[tilespmem:s1+$0xFFFFFF00] =	vst v6  }
0xba: {  	v9 =	vor.u32 s8, v0;
	v2 =	vld.idx.msk [tilespmem:v14+s4+$0x0], $0xffff;
	[tilespmem:s1+$0xFFFFFF80] =	vst v13  }
0xbb: {  	v7 =	vor.u32 s0, v0;
	s0 =	smov.u32 s7;
	s8 =	sadd.s32 $0x7, s7;
	s7 =	sadd.s32 $0x8, s7;
	v6 =	vld.idx.msk [tilespmem:v16+s4+$0x0], $0xffff;
	[tilespmem:s1+$0x0] =	vst v15  }
0xbc: {  	_ =	sdelay $0x2  }
0xbd: {  	[tilespmem:s1+$0x80] =	vst v5  }
0xbe: {  	v55 =	vor.u32 s8, v0;
	v10 =	vld.idx.msk [tilespmem:v10+s4+$0x0], $0xffff;
	[tilespmem:s1+$0x100] =	vst v4  }
0xbf: {  	s7 =	sadd.s32 $0x1, s0;
	v11 =	vld.idx.msk [tilespmem:v11+s4+$0x0], $0xffff;
	s13 =	sadd.s32 $0x1000, s1;
	v62 =	vor.u32 s0, v0;
	[tilespmem:s1+$0xFFFFFE00] =	vst v3  }
0xc0: {  	s12 =	sadd.s32 $0x2, s0;
	v8 =	vld.idx.msk [tilespmem:v8+s4+$0x0], $0xffff;
	v56 =	vor.u32 s7, v0;
	[tilespmem:s13+$0x180] =	vst v1  }
0xc1: {  	s14 =	sadd.s32 $0x3, s0;
	v9 =	vld.idx.msk [tilespmem:v9+s4+$0x0], $0xffff;
	v57 =	vor.u32 s12, v0;
	[tilespmem:s13+$0xFFFFFE80] =	vst v2  }
0xc2: {  	s8 =	sadd.s32 $0x4, s0;
	v7 =	vld.idx.msk [tilespmem:v7+s4+$0x0], $0xffff;
	v58 =	vor.u32 s14, v0;
	[tilespmem:s13+$0xFFFFFF00] =	vst v6  }
0xc3: {  	s10 =	sadd.s32 $0x5, s0;
	v59 =	vor.u32 s8, v0;
	s12 =	sadd.s32 $0x6, s0;
	v5 =	vld.idx.msk [tilespmem:v55+s4+$0x0], $0xffff;
	[tilespmem:s13+$0xFFFFFF80] =	vst v10  }
0xc4: {  	v60 =	vor.u32 s10, v0;
	v61 =	vor.u32 s12, v0;
	[tilespmem:s13+$0x0] =	vst v11;
	v0 =	vld.idx.msk [tilespmem:v62+s4+$0x0], $0xffff  }
0xc5: {  	[tilespmem:s13+$0x80] =	vst v8;
	v4 =	vld.idx.msk [tilespmem:v56+s4+$0x0], $0xffff  }
0xc6: {  	[tilespmem:s13+$0x100] =	vst v9;
	v3 =	vld.idx.msk [tilespmem:v57+s4+$0x0], $0xffff  }
0xc7: {  	[tilespmem:s13+$0xFFFFFE00] =	vst v7;
	s13 =	sadd.s32 $0x1000, s13;
	v1 =	vld.idx.msk [tilespmem:v58+s4+$0x0], $0xffff  }
0xc8: {  	v2 =	vld.idx.msk [tilespmem:v59+s4+$0x0], $0xffff;
	[tilespmem:s13+$0x180] =	vst v5  }
0xc9: {  	v6 =	vld.idx.msk [tilespmem:v60+s4+$0x0], $0xffff;
	[tilespmem:s13+$0xFFFFFE00] =	vst v0  }
0xca: {  	p1 =	slt.u32 s31, $0x1E;
	v63 =	vld.idx.msk [tilespmem:v61+s4+$0x0], $0xffff;
	[tilespmem:s13+$0xFFFFFE80] =	vst v4  }
.Ltmp5:
0xcb: {  	[tilespmem:s13+$0xFFFFFF00] =	vst v3;
	(pc) =	sbr.rel @p1 .LBB2_9-.Ltmp5, $4  }
0xcc: {  	[tilespmem:s13+$0xFFFFFF80] =	vst v1  }
0xcd: {  	[tilespmem:s13+$0x0] =	vst v2  }
0xce: {  	s14 =	sadd.s32 $0x2, s31;
	[tilespmem:s13+$0x80] =	vst v6  }
0xcf: {  	s30 =	sadd.s32 $0x100, s30;
	s29 =	sadd.s32 $0x1, s29;
	s31 =	smov.u32 s14;
	[tilespmem:s13+$0x100] =	vst v63  }
0xd0: {  	s0 =	sadd.s32 @!p0 $0x3, s25  }
0xd1: {  	s1 =	sshll.u32 @!p0 s0, $0x7;
	s0 =	sshll.u32 @!p0 s0, $0xE  }
0xd2: {  	s1 =	sand.u32 @!p0 $0x380, s1;
	s0 =	sand.u32 @!p0 $0x7E0000, s0  }
0xd3: {  	s0 =	sor.u32 @!p0 s0, s1  }
0xd4: {  	s0 =	sor.u32 @!p0 s5, s0  }
0xd5: {  	s7 =	simm.s32 @!p0 $0x400;
	s8 =	simm.s32 @!p0 $0x600;
	s0 =	sshrl.u32 @!p0 s0, $0x3  }
0xd6: {  	s24 =	sadd.s32 $0x1, s24;
	s1 =	simm.s32 @!p0 $0x80;
	s0 =	sadd.s32 @!p0 s2, s0  }
0xd7: {  	[tilespmem:s8], [sflag:$0x3] =	stream.strided.gather @!p0 [hbm4b:s0+s1], $0x200, s7, s1, $0x38;
	[tilespmem:$0x10800] =	vst v63  }
0xd8: {  	p0 =	sne.s32 s24, $0x64  }
.Ltmp6:
0xd9: {  	_ = 	snop;
	(pc) =	sbr.rel @p0 .LBB2_2-.Ltmp6, $3  }
0xda: {  	_ =	sdelay $0x1  }
0xdb: {  	s31 =	sadd.s32 s26, s9  }
0xdc: {  	[hbm4b:s31+s16] =	stream.strided.scatter [tilespmem:s20], [sflag:$0x5], $0x8000, s17, s16, $0x38;
	[tilespmem:$0x10800] =	vst v63  }
0xdd: {  	_ =	swait.ge [sflag:s21], $0x8000  }
0xde: {  	[sflag:s21] =	ssyncset.done $0x0  }
0xdf: {  	[sflag:s21] =	ssyncadd.s32 $0xFFFF8000  }
0xe0: {  	_ =	swait.ge [sflag:s22], $0x8000  }
0xe1: {  	s23 =	sadd.s32 $0x1, s23;
	s0 =	rddreg [dreg:$0x6]  }
0xe2: {  	p0 =	sne.s32 s23, s0  }
.Ltmp7:
0xe3: {  	_ = 	snop;
	(pc) =	sbr.rel @p0 .LBB2_1-.Ltmp7, $3  }
0xe4: {  	_ =	sdelay $0x1  }
0xe5: {  	[sflag:s22] =	ssyncset.done $0x0  }
0xe6: {  	[sflag:s22] =	ssyncadd.s32 $0xFFFF8000  }
0xe7: {  	_ =	sfence.sel $0x180000  }
0xe8: {  	[bflag:$0x0] =	sbarrier.arrive $0xFFFF  }
0xe9: {  	_ =	strace $0x90000047  }
0xea: {  	s0 =	stileid.u32;
	[bflag:$0x2] =	sbarrier.arrive $0xFFFF  }
0xeb: {  	p0 =	sne.s32 s0, $0x0;
	s0 =	rddreg [dreg:$0x3]  }
0xec: {  	s0 =	sadd.s32 @!p0 $0x100000, s0  }
0xed: {  	[sflag:s0] =	ssyncadd.tile.s32 @!p0 $0x1;
	_ =	shalt  }
.Lfunc_end2:
_tile_overlayer_lowered:
.L_overlay_start_2:
0xee: {  	(tag) =	ssettag $0x2  }
0xef: {  	s0 =	rddreg [dreg:$0x0];
	s2 =	stileid.u32  }
0xf0: {  	s1 =	rddreg [dreg:$0x1];
	p0 =	sne.s32 s2, $0x0  }
0xf1: {  	s3 =	rddreg [dreg:$0x2];
	[bflag:$0x3] =	sbarrier.arrive $0xFFFF;
	s2 =	simm.s32 @!p0 $0x1C06  }
0xf2: {  	[timem:s3], [sflag:s2] =	dma.local @!p0 [hbm:s0], s1  }
0xf3: {  	s0 =	simm.s32 @!p0 $0x6  }
0xf4: {  	_ =	swait.ge @!p0 [sflag:s0], s1  }
0xf5: {  	s1 =	ssub.s32 @!p0 $0x0, s1;
	[sflag:s0] =	ssyncset.done @!p0 $0x0  }
0xf6: {  	[sflag:s0] =	ssyncadd.s32 @!p0 s1  }
0xf7: {  	[bflag:$0x3] =	sbarrier.arrive $0xFFFF  }
0xf8: {  	_ =	shalt  }

</sc_bundles>
